<compile_context>
chip_gen: v7x
topology: tpu7x:2x2x1
jax: 0.10.2.dev20260603
libtpu: 0.0.44.dev20260713+nightly
codegen_flags: <defaults>
</compile_context>

<pallas_src>
import functools
import math

import jax
import jax.numpy as jnp
from jax import lax
from jax.experimental import pallas as pl
from jax.experimental.pallas import tpu as pltpu
from jax.experimental.pallas import tpu_sc as plsc

_C = 100000
_B = 1024
_SMOOTH = 0.1
_CONF = 1.0 - _SMOOTH
_EPS = _SMOOTH / (_C - 1)
_K0 = _SMOOTH * math.log(_EPS) + _CONF * math.log(_CONF)

_CB = 2048
_NBLK = (_C + _CB - 1) // _CB

_NW = 32
_BPW = _B // _NW


def _sc_gather(pred_flat, tgt):
    mesh = plsc.VectorSubcoreMesh(core_axis_name="c", subcore_axis_name="s")

    @functools.partial(
        pl.kernel,
        mesh=mesh,
        out_type=jax.ShapeDtypeStruct((_B,), jnp.float32),
        scratch_types=[
            pltpu.VMEM((_BPW,), jnp.int32),
            pltpu.VMEM((_BPW,), jnp.int32),
            pltpu.VMEM((_BPW,), jnp.float32),
            pltpu.SemaphoreType.DMA,
        ],
    )
    def k(pred_hbm, tgt_hbm, out_hbm, tgt_v, idx_v, val_v, sem):
        wid = lax.axis_index("s") * 2 + lax.axis_index("c")
        base = wid * _BPW
        pltpu.sync_copy(tgt_hbm.at[pl.ds(base, _BPW)], tgt_v)
        for i in range(_BPW // 16):
            t16 = tgt_v[pl.ds(i * 16, 16)]
            rows = (base + i * 16) + lax.broadcasted_iota(jnp.int32, (16,), 0)
            idx_v[pl.ds(i * 16, 16)] = rows * _C + t16
        pltpu.async_copy(pred_hbm.at[idx_v], val_v, sem).wait()
        pltpu.sync_copy(val_v, out_hbm.at[pl.ds(base, _BPW)])

    return k(pred_flat, tgt)


def _tc_body(pred_ref, out_ref, se_acc, sx_acc):
    j = pl.program_id(0)

    @pl.when(j == 0)
    def _init():
        se_acc[...] = jnp.zeros_like(se_acc)
        sx_acc[0, 0] = 0.0

    x = pred_ref[...]

    @pl.when(j < _NBLK - 1)
    def _full():
        se_acc[...] += jnp.exp(x)
        sx_acc[0, 0] += jnp.sum(x)

    @pl.when(j == _NBLK - 1)
    def _tail():
        cols = j * _CB + lax.broadcasted_iota(jnp.int32, (_B, _CB), 1)
        valid = cols < _C
        se_acc[...] += jnp.where(valid, jnp.exp(x), 0.0)
        sx_acc[0, 0] += jnp.sum(jnp.where(valid, x, 0.0))
        sumexp = jnp.sum(se_acc[...], axis=1, keepdims=True)
        lse = jnp.log(sumexp)
        a = (jnp.sum(lse) - _EPS * sx_acc[0, 0]) / _B
        out_ref[...] = jnp.reshape(a, (1, 1))


def _tc_reduce(pred):
    return pl.pallas_call(
        _tc_body,
        grid=(_NBLK,),
        in_specs=[pl.BlockSpec((_B, _CB), lambda j: (0, j))],
        out_specs=pl.BlockSpec((1, 1), lambda j: (0, 0)),
        out_shape=jax.ShapeDtypeStruct((1, 1), jnp.float32),
        scratch_shapes=[
            pltpu.VMEM((_B, _CB), jnp.float32),
            pltpu.SMEM((1, 1), jnp.float32),
        ],
    )(pred)


def _combine_body(a_ref, pt_ref, out_ref):
    ptsum = jnp.sum(pt_ref[...])
    out_ref[...] = a_ref[...] + jnp.reshape(
        _K0 - (_CONF - _EPS) * ptsum / _B, (1, 1)
    )


def _combine(a, pt):
    return pl.pallas_call(
        _combine_body,
        out_shape=jax.ShapeDtypeStruct((1, 1), jnp.float32),
    )(a, pt.reshape(8, _B // 8))


def kernel(pred, target):
    tgt = target.astype(jnp.int32)
    pred_flat = pred.reshape(_B * _C)
    pt = _sc_gather(pred_flat, tgt)
    a = jnp.zeros((1, 1), jnp.float32)
    return _combine(a, pt)[0, 0]

# --- scband reference (transcript-rebuilt; emitter-appended) ---
"""Pipeline reference for scband-label-smoothing-loss-18167711662283 (READ-ONLY COPY).

The authoritative reference and input builder live on the scoring server;
editing this copy changes nothing except your own understanding.
"""

import jax, jax.numpy as jnp
import numpy as np

CLASSES = 100000
SMOOTHING = 0.1
CONFIDENCE = 1.0 - SMOOTHING
BATCH = 1024


def setup_inputs(seed: int = 0) -> dict:
    key = jax.random.key(seed)
    k1, k2 = jax.random.split(key)
    pred = jax.random.normal(k1, (BATCH, CLASSES), dtype=jnp.float32)
    target = jax.random.randint(k2, (BATCH,), 0, CLASSES, dtype=jnp.int64)
    return {"pred": pred, "target": target}


def reference(pred, target):
    logp = jax.nn.log_softmax(pred, axis=-1)
    # build smoothed true distribution: fill with smoothing/(cls-1), scatter confidence at target
    true_dist = jnp.full_like(logp, SMOOTHING / (CLASSES - 1))
    rows = jnp.arange(pred.shape[0])
    true_dist = true_dist.at[rows, target].set(CONFIDENCE)
    # KLDivLoss(reduction='batchmean'): sum(target * (log(target) - input)) / batch
    kl = jnp.sum(true_dist * (jnp.log(true_dist) - logp)) / pred.shape[0]
    return kl

if __name__ == "__main__":
    import jax
    _d = setup_inputs()
    print(jax.jit(kernel)(*tuple(_d.values())))

</pallas_src>

<mosaic_0001>
#map = affine_map<(d0, d1) -> (0)>
module attributes {stable_mosaic.version = 14 : i64} {
  func.func @k(%arg0: i32, %arg1: i32, %arg2: memref<102400000xf32, #tpu.memory_space<hbm>>, %arg3: memref<1024xi32, #tpu.memory_space<hbm>>, %arg4: memref<1024xf32, #tpu.memory_space<hbm>>, %arg5: memref<32xi32, #tpu.memory_space<vmem>>, %arg6: memref<32xi32, #tpu.memory_space<vmem>>, %arg7: memref<32xf32, #tpu.memory_space<vmem>>, %arg8: memref<!tpu.dma_semaphore, #tpu.memory_space<semaphore_mem>>) attributes {dimension_semantics = [#tpu.dimension_semantics<core_parallel>, #tpu.dimension_semantics<subcore_parallel>], iteration_bounds = array<i64: 2, 16>, scalar_prefetch = 0 : i64, scratch_operands = 4 : i64, tpu.core_type = #tpu.core_type<sc_vector_subcore>, window_params = [{transform_indices = #map}, {transform_indices = #map}, {transform_indices = #map}]} {
    %mul3A = arith.constant 2 : i32
    %mul3A_0 = arith.muli %arg1, %mul3A : i32
    %add3A = arith.addi %mul3A_0, %arg0 : i32
    %mul3A_1 = arith.constant 32 : i32
    %mul3A_2 = arith.muli %add3A, %mul3A_1 : i32
    "tpu.region"() ({
      %run_scoped3A = tpu.sem_alloc : memref<!tpu.dma_semaphore, #tpu.memory_space<semaphore_mem>>
      %dma_start3A_34 = tpu.memref_slice %arg3[%mul3A_2] : memref<1024xi32, #tpu.memory_space<hbm>> -> memref<32xi32, #tpu.memory_space<hbm>>
      %dma_start3A_35 = tpu.memref_slice %arg3[%mul3A_2] : memref<1024xi32, #tpu.memory_space<hbm>> -> memref<32xi32, #tpu.memory_space<hbm>>
      tpu.enqueue_dma source(%dma_start3A_35 : memref<32xi32, #tpu.memory_space<hbm>>) target(%arg5 : memref<32xi32, #tpu.memory_space<vmem>>) target_semaphore(%run_scoped3A : memref<!tpu.dma_semaphore, #tpu.memory_space<semaphore_mem>>)
      %dma_wait3A_36 = tpu.memref_slice %arg3[%mul3A_2] : memref<1024xi32, #tpu.memory_space<hbm>> -> memref<32xi32, #tpu.memory_space<hbm>>
      %dma_wait3A_37 = tpu.memref_slice %arg3[%mul3A_2] : memref<1024xi32, #tpu.memory_space<hbm>> -> memref<32xi32, #tpu.memory_space<hbm>>
      tpu.wait_dma2 semaphore(%run_scoped3A : memref<!tpu.dma_semaphore, #tpu.memory_space<semaphore_mem>>) src(%dma_wait3A_37 : memref<32xi32, #tpu.memory_space<hbm>>) dst(%arg5 : memref<32xi32, #tpu.memory_space<vmem>>)
      tpu.yield
    }) : () -> ()
    %get3A = arith.constant 0 : index
    %get3A_3 = tpu.vector_load %arg5[%get3A] {strides = array<i32>} : memref<32xi32, #tpu.memory_space<vmem>>, vector<16xi32>,
    %get3A_4 = vector.shape_cast %get3A_3 : vector<16xi32> to vector<16xi32>
    %add3A_5 = arith.constant 0 : i32
    %add3A_6 = arith.addi %mul3A_2, %add3A_5 : i32
    %iota3A = tpu.iota {dimensions = array<i32: 0>} : vector<16xi32>
    %add3A_7 = vector.broadcast %add3A_6 : i32 to vector<16xi32>
    %add3A_8 = arith.addi %add3A_7, %iota3A : vector<16xi32>
    %mul3A_9 = arith.constant 100000 : i32
    %mul3A_10 = vector.broadcast %mul3A_9 : i32 to vector<16xi32>
    %mul3A_11 = arith.muli %add3A_8, %mul3A_10 : vector<16xi32>
    %add3A_12 = arith.addi %mul3A_11, %get3A_4 : vector<16xi32>
    %swap3A = arith.constant 0 : index
    %swap3A_13 = tpu.vector_load %arg6[%swap3A] {strides = array<i32>} : memref<32xi32, #tpu.memory_space<vmem>>, vector<16xi32>,
    %swap3A_14 = vector.shape_cast %swap3A_13 : vector<16xi32> to vector<16xi32>
    %swap3A_15 = vector.shape_cast %add3A_12 : vector<16xi32> to vector<16xi32>
    tpu.vector_store %arg6[%swap3A], %swap3A_15 {strides = array<i32>} : memref<32xi32, #tpu.memory_space<vmem>>, vector<16xi32>,
    %get3A_16 = arith.constant 16 : index
    %get3A_17 = tpu.vector_load %arg5[%get3A_16] {strides = array<i32>} : memref<32xi32, #tpu.memory_space<vmem>>, vector<16xi32>,
    %get3A_18 = vector.shape_cast %get3A_17 : vector<16xi32> to vector<16xi32>
    %add3A_19 = arith.constant 16 : i32
    %add3A_20 = arith.addi %mul3A_2, %add3A_19 : i32
    %iota3A_21 = tpu.iota {dimensions = array<i32: 0>} : vector<16xi32>
    %add3A_22 = vector.broadcast %add3A_20 : i32 to vector<16xi32>
    %add3A_23 = arith.addi %add3A_22, %iota3A_21 : vector<16xi32>
    %mul3A_24 = arith.constant 100000 : i32
    %mul3A_25 = vector.broadcast %mul3A_24 : i32 to vector<16xi32>
    %mul3A_26 = arith.muli %add3A_23, %mul3A_25 : vector<16xi32>
    %add3A_27 = arith.addi %mul3A_26, %get3A_18 : vector<16xi32>
    %swap3A_28 = arith.constant 16 : index
    %swap3A_29 = tpu.vector_load %arg6[%swap3A_28] {strides = array<i32>} : memref<32xi32, #tpu.memory_space<vmem>>, vector<16xi32>,
    %swap3A_30 = vector.shape_cast %swap3A_29 : vector<16xi32> to vector<16xi32>
    %swap3A_31 = vector.shape_cast %add3A_27 : vector<16xi32> to vector<16xi32>
    tpu.vector_store %arg6[%swap3A_28], %swap3A_31 {strides = array<i32>} : memref<32xi32, #tpu.memory_space<vmem>>, vector<16xi32>,
    %dma_start3A = arith.constant 0 : i32
    %dma_start3A_32 = tpu.memref_slice %arg2[%dma_start3A] : memref<102400000xf32, #tpu.memory_space<hbm>> -> memref<102400000xf32, #tpu.memory_space<hbm>>
    tpu.enqueue_indirect_dma source(%dma_start3A_32 : memref<102400000xf32, #tpu.memory_space<hbm>>) target(%arg7 : memref<32xf32, #tpu.memory_space<vmem>>) offsets(%arg6 : memref<32xi32, #tpu.memory_space<vmem>>) semaphore(%arg8 : memref<!tpu.dma_semaphore, #tpu.memory_space<semaphore_mem>>)
    %dma_wait3A = arith.constant 0 : i32
    %dma_wait3A_33 = tpu.memref_slice %arg2[%dma_wait3A] : memref<102400000xf32, #tpu.memory_space<hbm>> -> memref<102400000xf32, #tpu.memory_space<hbm>>
    tpu.wait_indirect_dma semaphore(%arg8 : memref<!tpu.dma_semaphore, #tpu.memory_space<semaphore_mem>>) src(%dma_wait3A_33 : memref<102400000xf32, #tpu.memory_space<hbm>>) dst(%arg7 : memref<32xf32, #tpu.memory_space<vmem>>)
    "tpu.region"() ({
      %run_scoped3A = tpu.sem_alloc : memref<!tpu.dma_semaphore, #tpu.memory_space<semaphore_mem>>
      %dma_start3A_34 = tpu.memref_slice %arg4[%mul3A_2] : memref<1024xf32, #tpu.memory_space<hbm>> -> memref<32xf32, #tpu.memory_space<hbm>>
      %dma_start3A_35 = tpu.memref_slice %arg4[%mul3A_2] : memref<1024xf32, #tpu.memory_space<hbm>> -> memref<32xf32, #tpu.memory_space<hbm>>
      tpu.enqueue_dma source(%arg7 : memref<32xf32, #tpu.memory_space<vmem>>) target(%dma_start3A_35 : memref<32xf32, #tpu.memory_space<hbm>>) target_semaphore(%run_scoped3A : memref<!tpu.dma_semaphore, #tpu.memory_space<semaphore_mem>>)
      %dma_wait3A_36 = tpu.memref_slice %arg4[%mul3A_2] : memref<1024xf32, #tpu.memory_space<hbm>> -> memref<32xf32, #tpu.memory_space<hbm>>
      %dma_wait3A_37 = tpu.memref_slice %arg4[%mul3A_2] : memref<1024xf32, #tpu.memory_space<hbm>> -> memref<32xf32, #tpu.memory_space<hbm>>
      tpu.wait_dma2 semaphore(%run_scoped3A : memref<!tpu.dma_semaphore, #tpu.memory_space<semaphore_mem>>) src(%arg7 : memref<32xf32, #tpu.memory_space<vmem>>) dst(%dma_wait3A_37 : memref<32xf32, #tpu.memory_space<hbm>>)
      tpu.yield
    }) : () -> ()
    return
  }
}

module attributes {stable_mosaic.version = 14 : i64} {
  func.func @_combine_body(%arg0: memref<1x1xf32, #tpu.memory_space<vmem>>, %arg1: memref<8x128xf32, #tpu.memory_space<vmem>>, %arg2: memref<1x1xf32, #tpu.memory_space<vmem>>) attributes {dimension_semantics = [], scalar_prefetch = 0 : i64, scratch_operands = 0 : i64, tpu.core_type = #tpu.core_type<tc>} {
    %get3A = arith.constant 0 : index
    %get3A_0 = arith.constant 0 : index
    %get3A_1 = vector.load %arg1[%get3A, %get3A_0] : memref<8x128xf32, #tpu.memory_space<vmem>>, vector<8x128xf32>
    %reduce_sum3A = vector.shape_cast %get3A_1 : vector<8x128xf32> to vector<1x8x128xf32>
    %reduce_sum3A_2 = arith.constant dense<0.000000e+00> : vector<1xf32>
    %reduce_sum3A_3 = vector.multi_reduction <add>, %reduce_sum3A, %reduce_sum3A_2 [1, 2] : vector<1x8x128xf32> to vector<1xf32>
    %reduce_sum3A_4 = vector.shape_cast %reduce_sum3A_3 : vector<1xf32> to vector<1x1x1xf32>
    %reduce_sum3A_5 = vector.extract %reduce_sum3A_4[0, 0, 0] : f32 from vector<1x1x1xf32>
    %get3A_6 = arith.constant 0 : index
    %get3A_7 = arith.constant 0 : index
    %get3A_8 = vector.load %arg0[%get3A_6, %get3A_7] : memref<1x1xf32, #tpu.memory_space<vmem>>, vector<1x1xf32>
    %mul3A = arith.constant 8.999990e-01 : f32
    %mul3A_9 = arith.mulf %mul3A, %reduce_sum3A_5 : f32
    %div3A = arith.constant 1.024000e+03 : f32
    %div3A_10 = arith.divf %mul3A_9, %div3A : f32
    %sub3A = arith.constant -1.47637451 : f32
    %sub3A_11 = arith.subf %sub3A, %div3A_10 : f32
    %reshape3A = vector.broadcast %sub3A_11 : f32 to vector<1x1xf32>
    %add3A = arith.addf %get3A_8, %reshape3A : vector<1x1xf32>
    %swap3A = arith.constant 0 : index
    %swap3A_12 = arith.constant 0 : index
    %swap3A_13 = vector.load %arg2[%swap3A, %swap3A_12] : memref<1x1xf32, #tpu.memory_space<vmem>>, vector<1x1xf32>
    tpu.vector_store %arg2[%swap3A, %swap3A_12], %add3A {strides = array<i32>} : memref<1x1xf32, #tpu.memory_space<vmem>>, vector<1x1xf32>,
    return
  }
}

</mosaic_0001>

<sc_bundles>
// kernel: kernel.4.cloned.1.call-start
scs
__scs_entry_jumppad:
0x0: {  	(pc) =	sbr.rel $0x88, $3  }
0x1: {  	(tag) =	ssettag $0x0;
	lr =	simm.s32 $0x1  }
0x2: {  	[smem:$0x3F9F] =	sst lr;
	_ =	strace $0xD0000000  }
0x3: {  	_ = 	snop  }
0x4: {  	_ = 	snop  }
0x5: {  	_ = 	snop  }
0x6: {  	_ = 	snop  }
0x7: {  	_ = 	snop  }
__scs_overlays_trampoline_lowered:
0x8: {  	[smem:$0x3FAE] =	sst s0  }
0x9: {  	[smem:$0x3FAF] =	sst s1  }
0xa: {  	[smem:$0x3FB0] =	sst s2  }
0xb: {  	[smem:$0x3FB1] =	sst s3  }
0xc: {  	[smem:$0x3FB2] =	sst s4  }
0xd: {  	[smem:$0x3FB3] =	sst s5  }
0xe: {  	[smem:$0x3FB4] =	sst s6  }
0xf: {  	[smem:$0x3FB5] =	sst s7  }
0x10: {  	[smem:$0x3FB6] =	sst s8  }
0x11: {  	[smem:$0x3FB7] =	sst s9;
	s0 =	simm.s32 @!p0 $0x0  }
0x12: {  	s1 =	sld [smem:$0x3F9D];
	s0 =	simm.s32 @p0 $0x1  }
0x13: {  	[smem:$0x3FB8] =	sst s0;
	s0 =	simm.s32 @!p1 $0x0  }
0x14: {  	s2 =	sld [smem:$0x3F9C];
	s0 =	simm.s32 @p1 $0x1  }
0x15: {  	[smem:$0x3FB9] =	sst s0;
	s0 =	simm.s32 @!p2 $0x0  }
0x16: {  	s3 =	sld [smem:$0x3FDB];
	s0 =	simm.s32 @p2 $0x1  }
0x17: {  	s4 =	simm.s32 $0x1BF5;
	[smem:$0x3FBB] =	sst s0  }
0x18: {  	s0 =	sld [smem:$0x3F9E];
	_ =	swait.ge [sflag:s4], $0x0  }
0x19: {  	s7 =	sld [smem:$0x3F9F]  }
0x1a: {  	s8 =	sadd.s32 $0xFFFFE003, lr  }
0x1b: {  	s9 =	sadd.s32 $0xFFFFFEF7, lr;
	s5 =	simm.s32 $0xFFFFFFFF;
	p2 =	slt.u32 s8, $0xFFFFF086  }
0x1c: {  	p1 =	slt.u32 s9, $0xF7A;
	s5 =	simm.s32 @!p2 $0x0  }
0x1d: {  	s5 =	simm.s32 @p1 $0x1;
	p0 =	seq.s32 s7, s2  }
0x1e: {  	s7 =	smul.u32 @!p0 $0xF7A, s2;
	p2 =	seq.s32 @!p0 s5, $0x0  }
0x1f: {  	s9 =	smul.u32 $0xF7A, s1;
	s8 =	simm.s32 @!p0 $0x1BF5;
	p2 =	por !p2, p0  }
0x20: {  	[sflag:s8] =	ssyncset.s32 @!p0 $0xFFFFF086;
	s6 =	sadd.s32 @!p0 s3, s7;
	s7 =	simm.s32 @!p0 $0x108  }
0x21: {  	s3 =	sadd.s32 s3, s9;
	s6 =	sadd.s32 @!p0 $0x88, s6;
	s7 =	simm.s32 @p2 $0x1082  }
0x22: {  	[simem:s7], [sflag:s8] =	dma.local @!p0 [hbm:s6], $0xF7A  }
0x23: {  	s9 =	sor.u32 $0xD0000000, s2;
	s6 =	simm.s32 $0x108;
	_ =	swait.ge @!p0 [sflag:s8], $0x0  }
0x24: {  	s3 =	sadd.s32 $0x88, s3;
	s6 =	simm.s32 @!p1 $0x1082;
	[sflag:s4] =	ssyncset.s32 $0xFFFFF086  }
0x25: {  	[simem:s6], [sflag:s4] =	dma.local [hbm:s3], $0xF7A  }
0x26: {  	[smem:$0x3F9F] =	sst s1;
	(tag) =	ssettag s2;
	_ =	strace s9  }
0x27: {  	s1 =	sld [smem:$0x3FAF]  }
0x28: {  	s2 =	sld [smem:$0x3FB0]  }
0x29: {  	s4 =	sld [smem:$0x3FB2]  }
0x2a: {  	p0 =	seq.s32 s5, $0x0;
	s5 =	sld [smem:$0x3FB3]  }
0x2b: {  	s6 =	sld [smem:$0x3FB4]  }
0x2c: {  	s7 =	sld [smem:$0x3FB5]  }
0x2d: {  	s3 =	simm.s32 $0x108;
	s8 =	sld [smem:$0x3FB6]  }
0x2e: {  	s3 =	simm.s32 @!p0 $0x1082;
	s9 =	sld [smem:$0x3FB7]  }
0x2f: {  	lr =	sadd.s32 s0, s3;
	s0 =	sld [smem:$0x3FAE]  }
0x30: {  	s3 =	sld [smem:$0x3FB1]  }
0x31: {  	[smem:$0x3FBA] =	sst s10  }
0x32: {  	s10 =	sld [smem:$0x3FB8];
	_ =	sdelay $0x3  }
0x33: {  	p0 =	seq.s32 s10, $0x1;
	s10 =	sld [smem:$0x3FBA];
	_ =	sdelay $0x3  }
0x34: {  	[smem:$0x3FBA] =	sst s10  }
0x35: {  	s10 =	sld [smem:$0x3FB9];
	_ =	sdelay $0x3  }
0x36: {  	p1 =	seq.s32 s10, $0x1;
	s10 =	sld [smem:$0x3FBA];
	_ =	sdelay $0x3  }
0x37: {  	[smem:$0x3FBA] =	sst s10  }
0x38: {  	s10 =	sld [smem:$0x3FBB]  }
0x39: {  	_ = 	snop;
	(pc) =	sbr.ind lr, $3  }
0x3a: {  	_ = 	snop  }
0x3b: {  	_ = 	snop  }
0x3c: {  	p2 =	seq.s32 s10, $0x1;
	s10 =	sld [smem:$0x3FBA]  }
0x3d: {  	_ =	shalt  }
0x3e: {  	_ =	shalt  }
0x3f: {  	_ =	shalt  }
0x40: {  	_ =	shalt  }
0x41: {  	_ =	shalt  }
0x42: {  	_ =	shalt  }
0x43: {  	_ =	shalt  }
0x44: {  	_ =	shalt  }
0x45: {  	_ =	shalt  }
0x46: {  	_ =	shalt  }
0x47: {  	_ =	shalt  }
0x48: {  	_ =	shalt  }
0x49: {  	_ =	shalt  }
0x4a: {  	_ =	shalt  }
0x4b: {  	_ =	shalt  }
0x4c: {  	_ =	shalt  }
0x4d: {  	_ =	shalt  }
0x4e: {  	_ =	shalt  }
0x4f: {  	_ =	shalt  }
0x50: {  	_ =	shalt  }
0x51: {  	_ =	shalt  }
0x52: {  	_ =	shalt  }
0x53: {  	_ =	shalt  }
0x54: {  	_ =	shalt  }
0x55: {  	_ =	shalt  }
0x56: {  	_ =	shalt  }
0x57: {  	_ =	shalt  }
0x58: {  	_ =	shalt  }
0x59: {  	_ =	shalt  }
0x5a: {  	_ =	shalt  }
0x5b: {  	_ =	shalt  }
0x5c: {  	_ =	shalt  }
0x5d: {  	_ =	shalt  }
0x5e: {  	_ =	shalt  }
0x5f: {  	_ =	shalt  }
0x60: {  	_ =	shalt  }
0x61: {  	_ =	shalt  }
0x62: {  	_ =	shalt  }
0x63: {  	_ =	shalt  }
0x64: {  	_ =	shalt  }
0x65: {  	_ =	shalt  }
0x66: {  	_ =	shalt  }
0x67: {  	_ =	shalt  }
0x68: {  	_ =	shalt  }
0x69: {  	_ =	shalt  }
0x6a: {  	_ =	shalt  }
0x6b: {  	_ =	shalt  }
0x6c: {  	_ =	shalt  }
0x6d: {  	_ =	shalt  }
0x6e: {  	_ =	shalt  }
0x6f: {  	_ =	shalt  }
0x70: {  	_ =	shalt  }
0x71: {  	_ =	shalt  }
0x72: {  	_ =	shalt  }
0x73: {  	_ =	shalt  }
0x74: {  	_ =	shalt  }
0x75: {  	_ =	shalt  }
0x76: {  	_ =	shalt  }
0x77: {  	_ =	shalt  }
0x78: {  	_ =	shalt  }
0x79: {  	_ =	shalt  }
0x7a: {  	_ =	shalt  }
0x7b: {  	_ =	shalt  }
0x7c: {  	_ =	shalt  }
0x7d: {  	_ =	shalt  }
0x7e: {  	_ =	shalt  }
0x7f: {  	_ =	shalt  }
0x80: {  	_ =	shalt  }
0x81: {  	_ =	shalt  }
0x82: {  	_ =	shalt  }
0x83: {  	_ =	shalt  }
0x84: {  	_ =	shalt  }
0x85: {  	_ =	shalt  }
0x86: {  	_ =	shalt  }
0x87: {  	_ =	shalt  }
.Lfunc_end0:
.L_simem_size_0:
called_computation_lowered:
.L_overlay_start_0:
0x88: {  	s2 =	sld [smem:$0x3FD9]  }
0x89: {  	s3 =	sld [smem:$0x3FFE];
	_ =	sdelay $0x1  }
0x8a: {  	s1 =	srdreg.scid  }
0x8b: {  	s0 =	sand.u32 $0x1, s1  }
0x8c: {  	s17 =	sshll.u32 s0, $0xA;
	s2 =	sadd.s32 s3, s2  }
0x8d: {  	s2 =	sadd.s32 s2, s17  }
0x8e: {  	[smem:$0x3FC6] =	sst s2  }
0x8f: {  	_ = 	snop  }
0x90: {  	s2 =	sld [smem:$0x3FC8];
	(tm) =	ssettm $0x1  }
0x91: {  	s18 =	sld [smem:$0x3FFB];
	_ =	sdelay $0x3  }
0x92: {  	_ =	strace s18  }
0x93: {  	s3 =	sld [smem:$0x3FFC];
	_ =	sdelay $0x3  }
0x94: {  	_ =	strace s3  }
0x95: {  	s3 =	sld [smem:$0x3FFD];
	_ =	sdelay $0x3  }
0x96: {  	_ =	strace s3  }
0x97: {  	_ =	strace $0x8FFFFFFF  }
0x98: {  	s19 =	sld [smem:$0x3FDB];
	_ =	sdelay $0x1  }
0x99: {  	s4 =	simm.s32 $_scs_section_size  }
0x9a: {  	s5 =	simm.s32 $_size__tile_overlayer_lowered;
	s6 =	simm.s32 $_tile_overlayer_lowered  }
0x9b: {  	s22 =	simm.s32 $0x1BFF;
	s21 =	sshll.u32 s6, $0x1;
	s3 =	sadd.s32 s4, s19  }
0x9c: {  	s7 =	simm.s32 $0x0;
	s20 =	sshll.u32 s5, $0x1;
	s5 =	sadd.s32 s21, s3  }
0x9d: {  	[timem:s7], [sflag:s22] =	dma.local [hbm:s5], s20  }
0x9e: {  	_ =	swait.ge [sflag:s22], s20  }
0x9f: {  	s4 =	ssub.s32 $0x0, s20;
	[sflag:s22] =	ssyncset.done $0x0  }
0xa0: {  	[sflag:s22] =	ssyncadd.s32 s4;
	_ =	sdelay $0x1  }
0xa1: {  	s23 =	simm.s32 $0x1B8B  }
0xa2: {  	_ =	swait.ge [sflag:s23], $0x1  }
0xa3: {  	[sflag:s23] =	ssyncset.done $0x0  }
0xa4: {  	s25 =	simm.s32 $0x1B8E;
	s24 =	sld [smem:$0x3FFE];
	[sflag:s23] =	ssyncadd.s32 $0xFFFFFFFF  }
0xa5: {  	s26 =	simm.s32 $execute0_lowered;
	[smem:$0x3FD2] =	sst s25  }
0xa6: {  	s5 =	sshll.u32 s26, $0x1;
	_ =	strace $0x80000046;
	[dreg:$0x1] =	wrdreg $0xFFFFFFFF  }
0xa7: {  	s28 =	simm.s32 $_size_execute0_lowered;
	s3 =	sadd.s32 s3, s5;
	[dreg:$0x0] =	wrdreg $0x0  }
0xa8: {  	s5 =	sshll.u32 s28, $0x1;
	[dreg:$0x2] =	wrdreg s3  }
0xa9: {  	[dreg:$0x3] =	wrdreg s5  }
0xaa: {  	[dreg:$0x4] =	wrdreg $0xC0  }
0xab: {  	_ =	task [dreg:s7], $0x5FFFF  }
0xac: {  	[dreg:$0x1] =	wrdreg $0xFFFFFFFF  }
0xad: {  	[dreg:$0x0] =	wrdreg $0x60  }
0xae: {  	[dreg:$0x2] =	wrdreg s24  }
0xaf: {  	[dreg:$0x3] =	wrdreg s2  }
0xb0: {  	[dreg:$0x4] =	wrdreg $0x9  }
0xb1: {  	_ =	task.clear_ibuf [dreg:s7], $0x5FFFF;
	_ =	strace $0x90000046  }
0xb2: {  	s29 =	simm.s32 $0x9;
	_ =	strace $0x80000048  }
0xb3: {  	_ =	swait.ge [sflag:s29], $0x1  }
0xb4: {  	[sflag:s29] =	ssyncadd.s32 $0xFFFFFFFF  }
0xb5: {  	_ =	strace $0x90000048  }
0xb6: {  	_ =	sfence  }
0xb7: {  	s30 =	sld [smem:$0x0];
	_ =	sdelay $0x2  }
0xb8: {  	s31 =	sshll.u32 s1, $0xD;
	s1 =	sshrl.u32 s1, $0x2  }
0xb9: {  	s3 =	sand.u32 $0x4000, s31;
	s1 =	sadd.s32 s1, s30  }
0xba: {  	s0 =	sor.u32 s3, s0;
	s1 =	sshll.u32 s1, $0x11  }
0xbb: {  	s0 =	sor.u32 s1, s0  }
0xbc: {  	s0 =	sadd.s32 $0x8F2B, s0  }
0xbd: {  	[sflag:s0] =	ssyncadd.remote.s32 $0x1  }
0xbe: {  	_ =	sfence.sel $0xFFFF  }
0xbf: {  	[dreg:$0x0] =	wrdreg $0xFFFFFFFF;
	(pc) =	sbr.abs _section_cstart, $3  }
0xc0: {  	[dreg:$0x1] =	wrdreg $0xFFFFFFFF  }
0xc1: {  	_ =	task.clear_ibuf [dreg:s7], $0x2FFFF;
	_ =	strace $0x9FFFFFFF  }
0xc2: {  	(tm) =	ssettm $0x7FFFFFFF  }
0xc3: {  	_ =	shalt  }
tec
execute0_lowered:
.L_overlay_start_1:
0x0: {  	(tag) =	ssettag $0x1  }
0x1: {  	s1 =	srdreg.scid  }
0x2: {  	s10 =	rddreg [dreg:$0x0];
	s0 =	stileid.u32;
	s6 =	sand.u32 $0x1, s1  }
0x3: {  	s3 =	rddreg [dreg:$0x1];
	s4 =	sshll.u32 s0, $0x6;
	s5 =	sshll.u32 s6, $0x5  }
0x4: {  	s2 =	simm.s32 $0x0;
	s1 =	rddreg [dreg:$0x2];
	s5 =	sor.u32 s5, s4  }
0x5: {  	[smem:$0x7FF] =	sst s2;
	s11 =	sshrl.u32 s5, $0x3  }
0x6: {  	_ =	strace $0x80000047;
	s4 =	sadd.s32 s3, s11;
	s3 =	simm.s32 $0x2  }
0x7: {  	[tilespmem:s2], [sflag:$0x2] =	stream.linear.gather [hbm4b:s4+s2], $0x20, $0x38;
	[tilespmem:$0x180] =	vst v63  }
0x8: {  	_ =	swait.ge [sflag:s3], $0x20  }
0x9: {  	[sflag:s3] =	ssyncset.done $0x0  }
0xa: {  	v0 =	vmov s5;
	s5 =	sor.u32 $0x10, s5;
	[sflag:s3] =	ssyncadd.s32 $0xFFFFFFE0  }
0xb: {  	v0 =	vmul.u32 $0x186A0, v0;
	v1 =	vmov s5;
	v2 =	vld [tilespmem:$0x0]  }
0xc: {  	v3 =	vlaneseq.u32;
	v1 =	vmul.u32 $0x186A0, v1;
	v4 =	vld [tilespmem:$0x10]  }
0xd: {  	v3 =	vmul.u32 $0x186A0, v3;
	v0 =	vbroadcast v0, $0x0  }
0xe: {  	s12 =	ssub.s32 $0x2, s6;
	v1 =	vbroadcast v1, $0x0  }
0xf: {  	s13 =	sshrl.u32 s12, $0x1;
	v0 =	vadd.s32 v3, v0  }
0x10: {  	s7 =	simm.s32 $0x80;
	s8 =	simm.s32 $0x100;
	s31 =	ssub.s32 s12, s13;
	v1 =	vadd.s32 v3, v1;
	v2 =	vadd.s32 v2, v0  }
0x11: {  	s5 =	sadd.s32 $0xC38600, s10;
	s10 =	sadd.s32 s11, s10;
	s11 =	smax.u32 s31, $0x1;
	[tilespmem:$0x80] =	vst v2;
	v2 =	vadd.s32 v4, v1  }
0x12: {  	s9 =	simm.s32 $0x1;
	s6 =	simm.s32 $0x20;
	p0 =	sne.s32 s11, $0x1;
	[tilespmem:$0x90] =	vst v2  }
0x13: {  	[tilespmem:s8], [sflag:$0x1] =	stream.indirect.gather [hbm4b:s5+s6], $0x1, s7, s6, $0xb8;
	[tilespmem:$0x180] =	vst v63  }
.Ltmp0:
0x14: {  	_ =	swait.ge [sflag:s9], $0x20;
	(pc) =	sbr.rel @!p0 .LBB2_2-.Ltmp0, $4  }
0x15: {  	[sflag:s9] =	ssyncset.done $0x0  }
0x16: {  	s10 =	sadd.s32 $0x600, s10;
	[sflag:s9] =	ssyncadd.s32 $0xFFFFFFE0  }
0x17: {  	[hbm4b:s10+s2] =	stream.linear.scatter [tilespmem:s8], [sflag:$0x2], $0x20, $0x38;
	[tilespmem:$0x180] =	vst v63  }
0x18: {  	s11 =	sadd.s32 $0xFFFFFFFF, s11;
	_ =	swait.ge [sflag:s3], $0x20  }
.LBB2_1:
0x19: {  	p0 =	sne.s32 s11, $0x1;
	s11 =	sadd.s32 $0xFFFFFFFF, s11;
	[sflag:s3] =	ssyncset.done $0x0  }
0x1a: {  	[sflag:s3] =	ssyncadd.s32 $0xFFFFFFE0  }
0x1b: {  	[tilespmem:s2], [sflag:$0x2] =	stream.linear.gather [hbm4b:s4+s2], $0x20, $0x38;
	[tilespmem:$0x180] =	vst v63  }
0x1c: {  	_ =	swait.ge [sflag:s3], $0x20  }
0x1d: {  	[sflag:s3] =	ssyncset.done $0x0  }
0x1e: {  	[sflag:s3] =	ssyncadd.s32 $0xFFFFFFE0  }
0x1f: {  	v2 =	vld [tilespmem:$0x0]  }
0x20: {  	v3 =	vld [tilespmem:$0x10];
	_ =	sdelay $0x3  }
0x21: {  	v2 =	vadd.s32 v2, v0  }
0x22: {  	[tilespmem:$0x80] =	vst v2;
	v2 =	vadd.s32 v3, v1  }
0x23: {  	[tilespmem:$0x90] =	vst v2  }
0x24: {  	[tilespmem:s8], [sflag:$0x1] =	stream.indirect.gather [hbm4b:s5+s6], $0x1, s7, s6, $0xb8;
	[tilespmem:$0x180] =	vst v63  }
.Ltmp1:
0x25: {  	_ =	swait.ge [sflag:s9], $0x20;
	(pc) =	sbr.rel @p0 .LBB2_1-.Ltmp1, $4  }
0x26: {  	[sflag:s9] =	ssyncset.done $0x0  }
0x27: {  	[sflag:s9] =	ssyncadd.s32 $0xFFFFFFE0  }
0x28: {  	[hbm4b:s10+s2] =	stream.linear.scatter [tilespmem:s8], [sflag:$0x2], $0x20, $0x38;
	[tilespmem:$0x180] =	vst v63  }
0x29: {  	_ =	swait.ge [sflag:s3], $0x20  }
.LBB2_2:
0x2a: {  	[sflag:s3] =	ssyncset.done $0x0  }
0x2b: {  	[sflag:s3] =	ssyncadd.s32 $0xFFFFFFE0  }
0x2c: {  	_ =	sfence.sel $0x180000  }
0x2d: {  	[bflag:$0x0] =	sbarrier.arrive $0xFFFF  }
0x2e: {  	p0 =	sne.s32 s0, $0x0;
	_ =	strace $0x90000047  }
0x2f: {  	s0 =	sadd.s32 @!p0 $0x100000, s1;
	[bflag:$0x2] =	sbarrier.arrive $0xFFFF  }
0x30: {  	[sflag:s0] =	ssyncadd.tile.s32 @!p0 $0x1;
	_ =	shalt  }
.Lfunc_end2:
_tile_overlayer_lowered:
.L_overlay_start_2:
0x31: {  	(tag) =	ssettag $0x2  }
0x32: {  	s0 =	rddreg [dreg:$0x0];
	s2 =	stileid.u32  }
0x33: {  	s1 =	rddreg [dreg:$0x1];
	p0 =	sne.s32 s2, $0x0  }
0x34: {  	s3 =	rddreg [dreg:$0x2];
	[bflag:$0x3] =	sbarrier.arrive $0xFFFF;
	s2 =	simm.s32 @!p0 $0x1C02  }
0x35: {  	[timem:s3], [sflag:s2] =	dma.local @!p0 [hbm:s0], s1  }
0x36: {  	s0 =	simm.s32 @!p0 $0x2  }
0x37: {  	_ =	swait.ge @!p0 [sflag:s0], s1  }
0x38: {  	s1 =	ssub.s32 @!p0 $0x0, s1;
	[sflag:s0] =	ssyncset.done @!p0 $0x0  }
0x39: {  	[sflag:s0] =	ssyncadd.s32 @!p0 s1  }
0x3a: {  	[bflag:$0x3] =	sbarrier.arrive $0xFFFF  }
0x3b: {  	_ =	shalt  }

</sc_bundles>
